<compile_context>
chip_gen: v7x
topology: tpu7x:2x2x1
jax: 0.10.2.dev20260603
libtpu: 0.0.44.dev20260713+nightly
codegen_flags: <defaults>
</compile_context>

<pallas_src>
import functools

import jax
import jax.numpy as jnp
from jax import lax
from jax.experimental import pallas as pl
from jax.experimental.pallas import tpu as pltpu
from jax.experimental.pallas import tpu_sc as plsc

_HIDDEN = 1024
_NC = 2
_NS = 16
_NW = _NC * _NS
_L = 16


@functools.cache
def _sc_lookup(total: int, n_rows: int):
    per_w = total // _NW
    mesh = plsc.VectorSubcoreMesh(core_axis_name="c", subcore_axis_name="s")

    @functools.partial(
        pl.kernel,
        out_type=jax.ShapeDtypeStruct((total, _HIDDEN), jnp.float32),
        mesh=mesh,
        compiler_params=pltpu.CompilerParams(
            use_tc_tiling_on_sc=False, needs_layout_passes=False
        ),
        scratch_types=[
            pltpu.VMEM((per_w,), jnp.int32),
            pltpu.VMEM((n_rows, _HIDDEN), jnp.float32),
            *[pltpu.VMEM((32, _HIDDEN), jnp.float32) for _ in range(3)],
            pltpu.SemaphoreType.DMA,
            pltpu.SemaphoreType.DMA,
            *[pltpu.SemaphoreType.DMA for _ in range(6)],
        ],
    )
    def k(ids_hbm, table_hbm, out_hbm, idx_v, table_v, b0, b1, b2,
          tsem, rsem, g0, g1, g2, s0, s1, s2):
        bufs = (b0, b1, b2)
        gsems = (g0, g1, g2)
        ssems = (s0, s1, s2)
        wid = lax.axis_index("s") * _NC + lax.axis_index("c")
        base = wid * per_w
        cp_t = pltpu.async_copy(table_hbm, table_v, tsem)
        pltpu.sync_copy(ids_hbm.at[wid], idx_v)
        gcp = [
            pltpu.async_copy(
                table_hbm.at[idx_v.at[pl.ds(c * 32, 32)]], bufs[c], gsems[c]
            )
            for c in range(3)
        ]
        cp_t.wait()
        iota = lax.iota(jnp.int32, _L)

        def fire(r, _):
            vec = idx_v[pl.ds((r // _L) * _L, _L)]
            rid = jnp.max(jnp.where(iota == r % _L, vec, 0))
            pltpu.async_copy(table_v.at[rid], out_hbm.at[base + r], rsem)
            return ()

        lax.fori_loop(96, per_w, fire, (), unroll=False)

        scp = []
        for c in range(3):
            gcp[c].wait()
            scp.append(pltpu.async_copy(
                bufs[c], out_hbm.at[pl.ds(base + c * 32, 32)], ssems[c]
            ))

        def drain(r, _):
            pltpu.make_async_copy(table_v.at[0], out_hbm.at[base], rsem).wait()
            return ()

        lax.fori_loop(96, per_w, drain, (), unroll=False)
        for cp in scp:
            cp.wait()

    return k


def kernel(ids, indicator_embs):
    b, s = ids.shape
    total = b * s
    ids_w = ids.astype(jnp.int32).reshape(_NW, total // _NW)
    out = _sc_lookup(total, indicator_embs.shape[0])(ids_w, indicator_embs)
    return out.reshape(b, s, _HIDDEN)

# --- scband reference (transcript-rebuilt; emitter-appended) ---
"""Pipeline reference for scband-align-indicator-38903813767366 (READ-ONLY COPY).

The authoritative reference and input builder live on the scoring server;
editing this copy changes nothing except your own understanding.
"""

import jax, jax.numpy as jnp
import numpy as np

N_INDICATORS = 8
HIDDEN = 1024
BATCH = 4
SEQ = 4096

def _xavier_uniform(key, shape):
    fan_in, fan_out = shape[0], shape[1]
    limit = float(np.sqrt(6.0 / (fan_in + fan_out)))
    return jax.random.uniform(key, shape, dtype=jnp.float32, minval=-limit, maxval=limit)

def setup_inputs(seed: int = 0) -> dict:
    key = jax.random.key(seed)
    k_ids, k_w = jax.random.split(key)
    ids = jax.random.randint(k_ids, (BATCH, SEQ), 0, N_INDICATORS, dtype=jnp.int64 if jax.config.jax_enable_x64 else jnp.int32)
    indicator_embs = _xavier_uniform(k_w, (N_INDICATORS, HIDDEN))
    return {"ids": ids, "indicator_embs": indicator_embs}

def reference(ids, indicator_embs):
    # Faithful translation of AlignIndicator.__call__: self.indicator_embs[ids]
    return jnp.take(indicator_embs, ids, axis=0)

if __name__ == "__main__":
    import jax
    _d = setup_inputs()
    print(jax.jit(kernel)(*tuple(_d.values())))

</pallas_src>

<mosaic_0001>
#map = affine_map<(d0, d1) -> (0, 0)>
module attributes {stable_mosaic.version = 14 : i64} {
  func.func @k(%arg0: i32, %arg1: i32, %arg2: memref<32x512xi32, #tpu.memory_space<hbm>>, %arg3: memref<8x1024xf32, #tpu.memory_space<hbm>>, %arg4: memref<16384x1024xf32, #tpu.memory_space<hbm>>, %arg5: memref<512xi32, #tpu.memory_space<vmem>>, %arg6: memref<8x1024xf32, #tpu.memory_space<vmem>>, %arg7: memref<32x1024xf32, #tpu.memory_space<vmem>>, %arg8: memref<32x1024xf32, #tpu.memory_space<vmem>>, %arg9: memref<32x1024xf32, #tpu.memory_space<vmem>>, %arg10: memref<!tpu.dma_semaphore, #tpu.memory_space<semaphore_mem>>, %arg11: memref<!tpu.dma_semaphore, #tpu.memory_space<semaphore_mem>>, %arg12: memref<!tpu.dma_semaphore, #tpu.memory_space<semaphore_mem>>, %arg13: memref<!tpu.dma_semaphore, #tpu.memory_space<semaphore_mem>>, %arg14: memref<!tpu.dma_semaphore, #tpu.memory_space<semaphore_mem>>, %arg15: memref<!tpu.dma_semaphore, #tpu.memory_space<semaphore_mem>>, %arg16: memref<!tpu.dma_semaphore, #tpu.memory_space<semaphore_mem>>, %arg17: memref<!tpu.dma_semaphore, #tpu.memory_space<semaphore_mem>>) attributes {dimension_semantics = [#tpu.dimension_semantics<core_parallel>, #tpu.dimension_semantics<subcore_parallel>], iteration_bounds = array<i64: 2, 16>, scalar_prefetch = 0 : i64, scratch_operands = 13 : i64, tpu.core_type = #tpu.core_type<sc_vector_subcore>, window_params = [{transform_indices = #map}, {transform_indices = #map}, {transform_indices = #map}]} {
    %mul3A = arith.constant 2 : i32
    %mul3A_0 = arith.muli %arg1, %mul3A : i32
    %add3A = arith.addi %mul3A_0, %arg0 : i32
    %mul3A_1 = arith.constant 512 : i32
    %mul3A_2 = arith.muli %add3A, %mul3A_1 : i32
    tpu.enqueue_dma source(%arg3 : memref<8x1024xf32, #tpu.memory_space<hbm>>) target(%arg6 : memref<8x1024xf32, #tpu.memory_space<vmem>>) target_semaphore(%arg10 : memref<!tpu.dma_semaphore, #tpu.memory_space<semaphore_mem>>)
    "tpu.region"() ({
      %run_scoped3A = tpu.sem_alloc : memref<!tpu.dma_semaphore, #tpu.memory_space<semaphore_mem>>
      %dma_start3A_70 = arith.constant 0 : i32
      %dma_start3A_71 = tpu.memref_slice %arg2[%add3A, %dma_start3A_70] : memref<32x512xi32, #tpu.memory_space<hbm>> -> memref<1x512xi32, #tpu.memory_space<hbm>>
      %dma_start3A_72 = tpu.memref_squeeze %dma_start3A_71 : memref<1x512xi32, #tpu.memory_space<hbm>> -> memref<512xi32, #tpu.memory_space<hbm>>
      %dma_start3A_73 = arith.constant 0 : i32
      %dma_start3A_74 = tpu.memref_slice %arg2[%add3A, %dma_start3A_73] : memref<32x512xi32, #tpu.memory_space<hbm>> -> memref<1x512xi32, #tpu.memory_space<hbm>>
      %dma_start3A_75 = tpu.memref_squeeze %dma_start3A_74 : memref<1x512xi32, #tpu.memory_space<hbm>> -> memref<512xi32, #tpu.memory_space<hbm>>
      tpu.enqueue_dma source(%dma_start3A_75 : memref<512xi32, #tpu.memory_space<hbm>>) target(%arg5 : memref<512xi32, #tpu.memory_space<vmem>>) target_semaphore(%run_scoped3A : memref<!tpu.dma_semaphore, #tpu.memory_space<semaphore_mem>>)
      %dma_wait3A_76 = arith.constant 0 : i32
      %dma_wait3A_77 = tpu.memref_slice %arg2[%add3A, %dma_wait3A_76] : memref<32x512xi32, #tpu.memory_space<hbm>> -> memref<1x512xi32, #tpu.memory_space<hbm>>
      %dma_wait3A_78 = tpu.memref_squeeze %dma_wait3A_77 : memref<1x512xi32, #tpu.memory_space<hbm>> -> memref<512xi32, #tpu.memory_space<hbm>>
      %dma_wait3A_79 = arith.constant 0 : i32
      %dma_wait3A_80 = tpu.memref_slice %arg2[%add3A, %dma_wait3A_79] : memref<32x512xi32, #tpu.memory_space<hbm>> -> memref<1x512xi32, #tpu.memory_space<hbm>>
      %dma_wait3A_81 = tpu.memref_squeeze %dma_wait3A_80 : memref<1x512xi32, #tpu.memory_space<hbm>> -> memref<512xi32, #tpu.memory_space<hbm>>
      tpu.wait_dma2 semaphore(%run_scoped3A : memref<!tpu.dma_semaphore, #tpu.memory_space<semaphore_mem>>) src(%dma_wait3A_81 : memref<512xi32, #tpu.memory_space<hbm>>) dst(%arg5 : memref<512xi32, #tpu.memory_space<vmem>>)
      tpu.yield
    }) : () -> ()
    %dma_start3A = arith.constant 0 : i32
    %dma_start3A_3 = tpu.memref_slice %arg5[%dma_start3A] : memref<512xi32, #tpu.memory_space<vmem>> -> memref<32xi32, #tpu.memory_space<vmem>>
    %dma_start3A_4 = arith.constant 0 : i32
    %dma_start3A_5 = arith.constant 0 : i32
    %dma_start3A_6 = tpu.memref_slice %arg3[%dma_start3A_4, %dma_start3A_5] : memref<8x1024xf32, #tpu.memory_space<hbm>> -> memref<8x1024xf32, #tpu.memory_space<hbm>>
    tpu.enqueue_indirect_dma source(%dma_start3A_6 : memref<8x1024xf32, #tpu.memory_space<hbm>>) target(%arg7 : memref<32x1024xf32, #tpu.memory_space<vmem>>) offsets(%dma_start3A_3 : memref<32xi32, #tpu.memory_space<vmem>>) semaphore(%arg12 : memref<!tpu.dma_semaphore, #tpu.memory_space<semaphore_mem>>)
    %dma_start3A_7 = arith.constant 32 : i32
    %dma_start3A_8 = tpu.memref_slice %arg5[%dma_start3A_7] : memref<512xi32, #tpu.memory_space<vmem>> -> memref<32xi32, #tpu.memory_space<vmem>>
    %dma_start3A_9 = arith.constant 0 : i32
    %dma_start3A_10 = arith.constant 0 : i32
    %dma_start3A_11 = tpu.memref_slice %arg3[%dma_start3A_9, %dma_start3A_10] : memref<8x1024xf32, #tpu.memory_space<hbm>> -> memref<8x1024xf32, #tpu.memory_space<hbm>>
    tpu.enqueue_indirect_dma source(%dma_start3A_11 : memref<8x1024xf32, #tpu.memory_space<hbm>>) target(%arg8 : memref<32x1024xf32, #tpu.memory_space<vmem>>) offsets(%dma_start3A_8 : memref<32xi32, #tpu.memory_space<vmem>>) semaphore(%arg13 : memref<!tpu.dma_semaphore, #tpu.memory_space<semaphore_mem>>)
    %dma_start3A_12 = arith.constant 64 : i32
    %dma_start3A_13 = tpu.memref_slice %arg5[%dma_start3A_12] : memref<512xi32, #tpu.memory_space<vmem>> -> memref<32xi32, #tpu.memory_space<vmem>>
    %dma_start3A_14 = arith.constant 0 : i32
    %dma_start3A_15 = arith.constant 0 : i32
    %dma_start3A_16 = tpu.memref_slice %arg3[%dma_start3A_14, %dma_start3A_15] : memref<8x1024xf32, #tpu.memory_space<hbm>> -> memref<8x1024xf32, #tpu.memory_space<hbm>>
    tpu.enqueue_indirect_dma source(%dma_start3A_16 : memref<8x1024xf32, #tpu.memory_space<hbm>>) target(%arg9 : memref<32x1024xf32, #tpu.memory_space<vmem>>) offsets(%dma_start3A_13 : memref<32xi32, #tpu.memory_space<vmem>>) semaphore(%arg14 : memref<!tpu.dma_semaphore, #tpu.memory_space<semaphore_mem>>)
    tpu.wait_dma2 semaphore(%arg10 : memref<!tpu.dma_semaphore, #tpu.memory_space<semaphore_mem>>) src(%arg3 : memref<8x1024xf32, #tpu.memory_space<hbm>>) dst(%arg6 : memref<8x1024xf32, #tpu.memory_space<vmem>>)
    %iota3A = tpu.iota {dimensions = array<i32: 0>} : vector<16xi32>
    %scan3A = arith.constant 96 : i32
    %scan3A_17 = arith.constant 416 : i32
    %scan3A_18 = arith.addi %scan3A, %scan3A_17 : i32
    %scan3A_19 = arith.constant 1 : i32
    scf.for %scan3A_70 = %scan3A to %scan3A_18 step %scan3A_19  : i32 {
      %jit3A = arith.constant 16 : i32
      %div3A = arith.divsi %scan3A_70, %jit3A : i32
      %sign3A = arith.constant 0 : i32
      %sign3A_71 = arith.cmpi sgt, %scan3A_70, %sign3A : i32
      %sign3A_72 = arith.extui %sign3A_71 : i1 to i32
      %sign3A_73 = arith.constant 0 : i32
      %sign3A_74 = arith.cmpi slt, %scan3A_70, %sign3A_73 : i32
      %sign3A_75 = arith.extui %sign3A_74 : i1 to i32
      %sign3A_76 = arith.subi %sign3A_72, %sign3A_75 : i32
      %sign3A_77 = arith.constant 0 : i32
      %sign3A_78 = arith.cmpi sgt, %jit3A, %sign3A_77 : i32
      %sign3A_79 = arith.extui %sign3A_78 : i1 to i32
      %sign3A_80 = arith.constant 0 : i32
      %sign3A_81 = arith.cmpi slt, %jit3A, %sign3A_80 : i32
      %sign3A_82 = arith.extui %sign3A_81 : i1 to i32
      %sign3A_83 = arith.subi %sign3A_79, %sign3A_82 : i32
      %ne3A = arith.cmpi ne, %sign3A_76, %sign3A_83 : i32
      %rem3A = arith.remsi %scan3A_70, %jit3A : i32
      %ne3A_84 = arith.constant 0 : i32
      %ne3A_85 = arith.cmpi ne, %rem3A, %ne3A_84 : i32
      %and3A = arith.andi %ne3A, %ne3A_85 : i1
      %sub3A = arith.constant 1 : i32
      %sub3A_86 = arith.subi %div3A, %sub3A : i32
      %select_n3A = arith.select %and3A, %sub3A_86, %div3A : i32
      %mul3A_87 = arith.constant 16 : i32
      %mul3A_88 = arith.muli %select_n3A, %mul3A_87 : i32
      %get3A = arith.index_cast %mul3A_88 : i32 to index
      %get3A_89 = tpu.vector_load %arg5[%get3A] {strides = array<i32>} : memref<512xi32, #tpu.memory_space<vmem>>, vector<16xi32>,
      %jit3A_90 = arith.constant 16 : i32
      %eq3A = arith.constant 0 : i32
      %eq3A_91 = arith.cmpi eq, %jit3A_90, %eq3A : i32
      %jit3A_92 = arith.constant 1 : i32
      %select_n3A_93 = arith.select %eq3A_91, %jit3A_92, %jit3A_90 : i32
      %rem3A_94 = arith.remsi %scan3A_70, %select_n3A_93 : i32
      %ne3A_95 = arith.constant 0 : i32
      %ne3A_96 = arith.cmpi ne, %rem3A_94, %ne3A_95 : i32
      %lt3A = arith.constant 0 : i32
      %lt3A_97 = arith.cmpi slt, %rem3A_94, %lt3A : i32
      %lt3A_98 = arith.constant 0 : i32
      %lt3A_99 = arith.cmpi slt, %select_n3A_93, %lt3A_98 : i32
      %ne3A_100 = arith.xori %lt3A_97, %lt3A_99 : i1
      %and3A_101 = arith.andi %ne3A_100, %ne3A_96 : i1
      %add3A_102 = arith.addi %rem3A_94, %select_n3A_93 : i32
      %select_n3A_103 = arith.select %and3A_101, %add3A_102, %rem3A_94 : i32
      %eq3A_104 = vector.broadcast %select_n3A_103 : i32 to vector<16xi32>
      %eq3A_105 = arith.cmpi eq, %iota3A, %eq3A_104 : vector<16xi32>
      %jit3A_106 = arith.constant 0 : i32
      %broadcast_in_dim3A = vector.broadcast %jit3A_106 : i32 to vector<16xi32>
      %select_n3A_107 = arith.select %eq3A_105, %get3A_89, %broadcast_in_dim3A : vector<16xi1>, vector<16xi32>
      %reduce_max3A = arith.constant true
      %reduce_max3A_108 = vector.broadcast %reduce_max3A : i1 to vector<16xi1>
      %reduce_max3A_109 = arith.constant -2147483648 : i32
      %reduce_max3A_110 = vector.broadcast %reduce_max3A_109 : i32 to vector<16xi32>
      %reduce_max3A_111 = arith.xori %select_n3A_107, %reduce_max3A_110 : vector<16xi32>
      %reduce_max3A_112 = tpu.scan <max>, %reduce_max3A_111 masked %reduce_max3A_108 : vector<16xi32>, vector<16xi1> -> vector<16xi32>
      %reduce_max3A_113 = arith.xori %reduce_max3A_112, %reduce_max3A_110 : vector<16xi32>
      %reduce_max3A_114 = vector.extract %reduce_max3A_113[15] : i32 from vector<16xi32>
      %add3A_115 = arith.addi %mul3A_2, %scan3A_70 : i32
      %dma_start3A_116 = arith.constant 0 : i32
      %dma_start3A_117 = tpu.memref_slice %arg6[%reduce_max3A_114, %dma_start3A_116] : memref<8x1024xf32, #tpu.memory_space<vmem>> -> memref<1x1024xf32, #tpu.memory_space<vmem>>
      %dma_start3A_118 = tpu.memref_squeeze %dma_start3A_117 : memref<1x1024xf32, #tpu.memory_space<vmem>> -> memref<1024xf32, #tpu.memory_space<vmem>>
      %dma_start3A_119 = arith.constant 0 : i32
      %dma_start3A_120 = tpu.memref_slice %arg4[%add3A_115, %dma_start3A_119] : memref<16384x1024xf32, #tpu.memory_space<hbm>> -> memref<1x1024xf32, #tpu.memory_space<hbm>>
      %dma_start3A_121 = tpu.memref_squeeze %dma_start3A_120 : memref<1x1024xf32, #tpu.memory_space<hbm>> -> memref<1024xf32, #tpu.memory_space<hbm>>
      %dma_start3A_122 = arith.constant 0 : i32
      %dma_start3A_123 = tpu.memref_slice %arg4[%add3A_115, %dma_start3A_122] : memref<16384x1024xf32, #tpu.memory_space<hbm>> -> memref<1x1024xf32, #tpu.memory_space<hbm>>
      %dma_start3A_124 = tpu.memref_squeeze %dma_start3A_123 : memref<1x1024xf32, #tpu.memory_space<hbm>> -> memref<1024xf32, #tpu.memory_space<hbm>>
      %dma_start3A_125 = arith.constant 0 : i32
      %dma_start3A_126 = tpu.memref_slice %arg6[%reduce_max3A_114, %dma_start3A_125] : memref<8x1024xf32, #tpu.memory_space<vmem>> -> memref<1x1024xf32, #tpu.memory_space<vmem>>
      %dma_start3A_127 = tpu.memref_squeeze %dma_start3A_126 : memref<1x1024xf32, #tpu.memory_space<vmem>> -> memref<1024xf32, #tpu.memory_space<vmem>>
      tpu.enqueue_dma source(%dma_start3A_127 : memref<1024xf32, #tpu.memory_space<vmem>>) target(%dma_start3A_124 : memref<1024xf32, #tpu.memory_space<hbm>>) target_semaphore(%arg11 : memref<!tpu.dma_semaphore, #tpu.memory_space<semaphore_mem>>)
    }
    %scan3A_20 = arith.constant 416 : i32
    %dma_wait3A = arith.constant 0 : i32
    %dma_wait3A_21 = tpu.memref_slice %arg5[%dma_wait3A] : memref<512xi32, #tpu.memory_space<vmem>> -> memref<32xi32, #tpu.memory_space<vmem>>
    %dma_wait3A_22 = arith.constant 0 : i32
    %dma_wait3A_23 = arith.constant 0 : i32
    %dma_wait3A_24 = tpu.memref_slice %arg3[%dma_wait3A_22, %dma_wait3A_23] : memref<8x1024xf32, #tpu.memory_space<hbm>> -> memref<8x1024xf32, #tpu.memory_space<hbm>>
    tpu.wait_indirect_dma semaphore(%arg12 : memref<!tpu.dma_semaphore, #tpu.memory_space<semaphore_mem>>) src(%dma_wait3A_24 : memref<8x1024xf32, #tpu.memory_space<hbm>>) dst(%arg7 : memref<32x1024xf32, #tpu.memory_space<vmem>>)
    %add3A_25 = arith.constant 0 : i32
    %add3A_26 = arith.addi %mul3A_2, %add3A_25 : i32
    %dma_start3A_27 = arith.constant 0 : i32
    %dma_start3A_28 = tpu.memref_slice %arg4[%add3A_26, %dma_start3A_27] : memref<16384x1024xf32, #tpu.memory_space<hbm>> -> memref<32x1024xf32, #tpu.memory_space<hbm>>
    %dma_start3A_29 = arith.constant 0 : i32
    %dma_start3A_30 = tpu.memref_slice %arg4[%add3A_26, %dma_start3A_29] : memref<16384x1024xf32, #tpu.memory_space<hbm>> -> memref<32x1024xf32, #tpu.memory_space<hbm>>
    tpu.enqueue_dma source(%arg7 : memref<32x1024xf32, #tpu.memory_space<vmem>>) target(%dma_start3A_30 : memref<32x1024xf32, #tpu.memory_space<hbm>>) target_semaphore(%arg15 : memref<!tpu.dma_semaphore, #tpu.memory_space<semaphore_mem>>)
    %dma_wait3A_31 = arith.constant 32 : i32
    %dma_wait3A_32 = tpu.memref_slice %arg5[%dma_wait3A_31] : memref<512xi32, #tpu.memory_space<vmem>> -> memref<32xi32, #tpu.memory_space<vmem>>
    %dma_wait3A_33 = arith.constant 0 : i32
    %dma_wait3A_34 = arith.constant 0 : i32
    %dma_wait3A_35 = tpu.memref_slice %arg3[%dma_wait3A_33, %dma_wait3A_34] : memref<8x1024xf32, #tpu.memory_space<hbm>> -> memref<8x1024xf32, #tpu.memory_space<hbm>>
    tpu.wait_indirect_dma semaphore(%arg13 : memref<!tpu.dma_semaphore, #tpu.memory_space<semaphore_mem>>) src(%dma_wait3A_35 : memref<8x1024xf32, #tpu.memory_space<hbm>>) dst(%arg8 : memref<32x1024xf32, #tpu.memory_space<vmem>>)
    %add3A_36 = arith.constant 32 : i32
    %add3A_37 = arith.addi %mul3A_2, %add3A_36 : i32
    %dma_start3A_38 = arith.constant 0 : i32
    %dma_start3A_39 = tpu.memref_slice %arg4[%add3A_37, %dma_start3A_38] : memref<16384x1024xf32, #tpu.memory_space<hbm>> -> memref<32x1024xf32, #tpu.memory_space<hbm>>
    %dma_start3A_40 = arith.constant 0 : i32
    %dma_start3A_41 = tpu.memref_slice %arg4[%add3A_37, %dma_start3A_40] : memref<16384x1024xf32, #tpu.memory_space<hbm>> -> memref<32x1024xf32, #tpu.memory_space<hbm>>
    tpu.enqueue_dma source(%arg8 : memref<32x1024xf32, #tpu.memory_space<vmem>>) target(%dma_start3A_41 : memref<32x1024xf32, #tpu.memory_space<hbm>>) target_semaphore(%arg16 : memref<!tpu.dma_semaphore, #tpu.memory_space<semaphore_mem>>)
    %dma_wait3A_42 = arith.constant 64 : i32
    %dma_wait3A_43 = tpu.memref_slice %arg5[%dma_wait3A_42] : memref<512xi32, #tpu.memory_space<vmem>> -> memref<32xi32, #tpu.memory_space<vmem>>
    %dma_wait3A_44 = arith.constant 0 : i32
    %dma_wait3A_45 = arith.constant 0 : i32
    %dma_wait3A_46 = tpu.memref_slice %arg3[%dma_wait3A_44, %dma_wait3A_45] : memref<8x1024xf32, #tpu.memory_space<hbm>> -> memref<8x1024xf32, #tpu.memory_space<hbm>>
    tpu.wait_indirect_dma semaphore(%arg14 : memref<!tpu.dma_semaphore, #tpu.memory_space<semaphore_mem>>) src(%dma_wait3A_46 : memref<8x1024xf32, #tpu.memory_space<hbm>>) dst(%arg9 : memref<32x1024xf32, #tpu.memory_space<vmem>>)
    %add3A_47 = arith.constant 64 : i32
    %add3A_48 = arith.addi %mul3A_2, %add3A_47 : i32
    %dma_start3A_49 = arith.constant 0 : i32
    %dma_start3A_50 = tpu.memref_slice %arg4[%add3A_48, %dma_start3A_49] : memref<16384x1024xf32, #tpu.memory_space<hbm>> -> memref<32x1024xf32, #tpu.memory_space<hbm>>
    %dma_start3A_51 = arith.constant 0 : i32
    %dma_start3A_52 = tpu.memref_slice %arg4[%add3A_48, %dma_start3A_51] : memref<16384x1024xf32, #tpu.memory_space<hbm>> -> memref<32x1024xf32, #tpu.memory_space<hbm>>
    tpu.enqueue_dma source(%arg9 : memref<32x1024xf32, #tpu.memory_space<vmem>>) target(%dma_start3A_52 : memref<32x1024xf32, #tpu.memory_space<hbm>>) target_semaphore(%arg17 : memref<!tpu.dma_semaphore, #tpu.memory_space<semaphore_mem>>)
    %scan3A_53 = arith.constant 96 : i32
    %scan3A_54 = arith.constant 416 : i32
    %scan3A_55 = arith.addi %scan3A_53, %scan3A_54 : i32
    %scan3A_56 = arith.constant 1 : i32
    scf.for %scan3A_70 = %scan3A_53 to %scan3A_55 step %scan3A_56  : i32 {
      %dma_wait3A_71 = arith.constant 0 : i32
      %dma_wait3A_72 = arith.constant 0 : i32
      %dma_wait3A_73 = tpu.memref_slice %arg6[%dma_wait3A_71, %dma_wait3A_72] : memref<8x1024xf32, #tpu.memory_space<vmem>> -> memref<1x1024xf32, #tpu.memory_space<vmem>>
      %dma_wait3A_74 = tpu.memref_squeeze %dma_wait3A_73 : memref<1x1024xf32, #tpu.memory_space<vmem>> -> memref<1024xf32, #tpu.memory_space<vmem>>
      %dma_wait3A_75 = arith.constant 0 : i32
      %dma_wait3A_76 = tpu.memref_slice %arg4[%mul3A_2, %dma_wait3A_75] : memref<16384x1024xf32, #tpu.memory_space<hbm>> -> memref<1x1024xf32, #tpu.memory_space<hbm>>
      %dma_wait3A_77 = tpu.memref_squeeze %dma_wait3A_76 : memref<1x1024xf32, #tpu.memory_space<hbm>> -> memref<1024xf32, #tpu.memory_space<hbm>>
      %dma_wait3A_78 = arith.constant 0 : i32
      %dma_wait3A_79 = tpu.memref_slice %arg4[%mul3A_2, %dma_wait3A_78] : memref<16384x1024xf32, #tpu.memory_space<hbm>> -> memref<1x1024xf32, #tpu.memory_space<hbm>>
      %dma_wait3A_80 = tpu.memref_squeeze %dma_wait3A_79 : memref<1x1024xf32, #tpu.memory_space<hbm>> -> memref<1024xf32, #tpu.memory_space<hbm>>
      %dma_wait3A_81 = arith.constant 0 : i32
      %dma_wait3A_82 = tpu.memref_slice %arg6[%dma_wait3A_71, %dma_wait3A_81] : memref<8x1024xf32, #tpu.memory_space<vmem>> -> memref<1x1024xf32, #tpu.memory_space<vmem>>
      %dma_wait3A_83 = tpu.memref_squeeze %dma_wait3A_82 : memref<1x1024xf32, #tpu.memory_space<vmem>> -> memref<1024xf32, #tpu.memory_space<vmem>>
      tpu.wait_dma2 semaphore(%arg11 : memref<!tpu.dma_semaphore, #tpu.memory_space<semaphore_mem>>) src(%dma_wait3A_83 : memref<1024xf32, #tpu.memory_space<vmem>>) dst(%dma_wait3A_80 : memref<1024xf32, #tpu.memory_space<hbm>>)
    }
    %scan3A_57 = arith.constant 416 : i32
    %dma_wait3A_58 = arith.constant 0 : i32
    %dma_wait3A_59 = tpu.memref_slice %arg4[%add3A_26, %dma_wait3A_58] : memref<16384x1024xf32, #tpu.memory_space<hbm>> -> memref<32x1024xf32, #tpu.memory_space<hbm>>
    %dma_wait3A_60 = arith.constant 0 : i32
    %dma_wait3A_61 = tpu.memref_slice %arg4[%add3A_26, %dma_wait3A_60] : memref<16384x1024xf32, #tpu.memory_space<hbm>> -> memref<32x1024xf32, #tpu.memory_space<hbm>>
    tpu.wait_dma2 semaphore(%arg15 : memref<!tpu.dma_semaphore, #tpu.memory_space<semaphore_mem>>) src(%arg7 : memref<32x1024xf32, #tpu.memory_space<vmem>>) dst(%dma_wait3A_61 : memref<32x1024xf32, #tpu.memory_space<hbm>>)
    %dma_wait3A_62 = arith.constant 0 : i32
    %dma_wait3A_63 = tpu.memref_slice %arg4[%add3A_37, %dma_wait3A_62] : memref<16384x1024xf32, #tpu.memory_space<hbm>> -> memref<32x1024xf32, #tpu.memory_space<hbm>>
    %dma_wait3A_64 = arith.constant 0 : i32
    %dma_wait3A_65 = tpu.memref_slice %arg4[%add3A_37, %dma_wait3A_64] : memref<16384x1024xf32, #tpu.memory_space<hbm>> -> memref<32x1024xf32, #tpu.memory_space<hbm>>
    tpu.wait_dma2 semaphore(%arg16 : memref<!tpu.dma_semaphore, #tpu.memory_space<semaphore_mem>>) src(%arg8 : memref<32x1024xf32, #tpu.memory_space<vmem>>) dst(%dma_wait3A_65 : memref<32x1024xf32, #tpu.memory_space<hbm>>)
    %dma_wait3A_66 = arith.constant 0 : i32
    %dma_wait3A_67 = tpu.memref_slice %arg4[%add3A_48, %dma_wait3A_66] : memref<16384x1024xf32, #tpu.memory_space<hbm>> -> memref<32x1024xf32, #tpu.memory_space<hbm>>
    %dma_wait3A_68 = arith.constant 0 : i32
    %dma_wait3A_69 = tpu.memref_slice %arg4[%add3A_48, %dma_wait3A_68] : memref<16384x1024xf32, #tpu.memory_space<hbm>> -> memref<32x1024xf32, #tpu.memory_space<hbm>>
    tpu.wait_dma2 semaphore(%arg17 : memref<!tpu.dma_semaphore, #tpu.memory_space<semaphore_mem>>) src(%arg9 : memref<32x1024xf32, #tpu.memory_space<vmem>>) dst(%dma_wait3A_69 : memref<32x1024xf32, #tpu.memory_space<hbm>>)
    return
  }
}

</mosaic_0001>

<sc_bundles>
// kernel: kernel.3.cloned.1.call-start
scs
__scs_entry_jumppad:
0x0: {  	(pc) =	sbr.rel $0x88, $3  }
0x1: {  	(tag) =	ssettag $0x0;
	lr =	simm.s32 $0x1  }
0x2: {  	[smem:$0x3F9F] =	sst lr;
	_ =	strace $0xD0000000  }
0x3: {  	_ = 	snop  }
0x4: {  	_ = 	snop  }
0x5: {  	_ = 	snop  }
0x6: {  	_ = 	snop  }
0x7: {  	_ = 	snop  }
__scs_overlays_trampoline_lowered:
0x8: {  	[smem:$0x3FAE] =	sst s0  }
0x9: {  	[smem:$0x3FAF] =	sst s1  }
0xa: {  	[smem:$0x3FB0] =	sst s2  }
0xb: {  	[smem:$0x3FB1] =	sst s3  }
0xc: {  	[smem:$0x3FB2] =	sst s4  }
0xd: {  	[smem:$0x3FB3] =	sst s5  }
0xe: {  	[smem:$0x3FB4] =	sst s6  }
0xf: {  	[smem:$0x3FB5] =	sst s7  }
0x10: {  	[smem:$0x3FB6] =	sst s8  }
0x11: {  	[smem:$0x3FB7] =	sst s9;
	s0 =	simm.s32 @!p0 $0x0  }
0x12: {  	s1 =	sld [smem:$0x3F9D];
	s0 =	simm.s32 @p0 $0x1  }
0x13: {  	[smem:$0x3FB8] =	sst s0;
	s0 =	simm.s32 @!p1 $0x0  }
0x14: {  	s2 =	sld [smem:$0x3F9C];
	s0 =	simm.s32 @p1 $0x1  }
0x15: {  	[smem:$0x3FB9] =	sst s0;
	s0 =	simm.s32 @!p2 $0x0  }
0x16: {  	s3 =	sld [smem:$0x3FDB];
	s0 =	simm.s32 @p2 $0x1  }
0x17: {  	s4 =	simm.s32 $0x1BF5;
	[smem:$0x3FBB] =	sst s0  }
0x18: {  	s0 =	sld [smem:$0x3F9E];
	_ =	swait.ge [sflag:s4], $0x0  }
0x19: {  	s7 =	sld [smem:$0x3F9F]  }
0x1a: {  	s8 =	sadd.s32 $0xFFFFE003, lr  }
0x1b: {  	s9 =	sadd.s32 $0xFFFFFEF7, lr;
	s5 =	simm.s32 $0xFFFFFFFF;
	p2 =	slt.u32 s8, $0xFFFFF086  }
0x1c: {  	p1 =	slt.u32 s9, $0xF7A;
	s5 =	simm.s32 @!p2 $0x0  }
0x1d: {  	s5 =	simm.s32 @p1 $0x1;
	p0 =	seq.s32 s7, s2  }
0x1e: {  	s7 =	smul.u32 @!p0 $0xF7A, s2;
	p2 =	seq.s32 @!p0 s5, $0x0  }
0x1f: {  	s9 =	smul.u32 $0xF7A, s1;
	s8 =	simm.s32 @!p0 $0x1BF5;
	p2 =	por !p2, p0  }
0x20: {  	[sflag:s8] =	ssyncset.s32 @!p0 $0xFFFFF086;
	s6 =	sadd.s32 @!p0 s3, s7;
	s7 =	simm.s32 @!p0 $0x108  }
0x21: {  	s3 =	sadd.s32 s3, s9;
	s6 =	sadd.s32 @!p0 $0x88, s6;
	s7 =	simm.s32 @p2 $0x1082  }
0x22: {  	[simem:s7], [sflag:s8] =	dma.local @!p0 [hbm:s6], $0xF7A  }
0x23: {  	s9 =	sor.u32 $0xD0000000, s2;
	s6 =	simm.s32 $0x108;
	_ =	swait.ge @!p0 [sflag:s8], $0x0  }
0x24: {  	s3 =	sadd.s32 $0x88, s3;
	s6 =	simm.s32 @!p1 $0x1082;
	[sflag:s4] =	ssyncset.s32 $0xFFFFF086  }
0x25: {  	[simem:s6], [sflag:s4] =	dma.local [hbm:s3], $0xF7A  }
0x26: {  	[smem:$0x3F9F] =	sst s1;
	(tag) =	ssettag s2;
	_ =	strace s9  }
0x27: {  	s1 =	sld [smem:$0x3FAF]  }
0x28: {  	s2 =	sld [smem:$0x3FB0]  }
0x29: {  	s4 =	sld [smem:$0x3FB2]  }
0x2a: {  	p0 =	seq.s32 s5, $0x0;
	s5 =	sld [smem:$0x3FB3]  }
0x2b: {  	s6 =	sld [smem:$0x3FB4]  }
0x2c: {  	s7 =	sld [smem:$0x3FB5]  }
0x2d: {  	s3 =	simm.s32 $0x108;
	s8 =	sld [smem:$0x3FB6]  }
0x2e: {  	s3 =	simm.s32 @!p0 $0x1082;
	s9 =	sld [smem:$0x3FB7]  }
0x2f: {  	lr =	sadd.s32 s0, s3;
	s0 =	sld [smem:$0x3FAE]  }
0x30: {  	s3 =	sld [smem:$0x3FB1]  }
0x31: {  	[smem:$0x3FBA] =	sst s10  }
0x32: {  	s10 =	sld [smem:$0x3FB8];
	_ =	sdelay $0x3  }
0x33: {  	p0 =	seq.s32 s10, $0x1;
	s10 =	sld [smem:$0x3FBA];
	_ =	sdelay $0x3  }
0x34: {  	[smem:$0x3FBA] =	sst s10  }
0x35: {  	s10 =	sld [smem:$0x3FB9];
	_ =	sdelay $0x3  }
0x36: {  	p1 =	seq.s32 s10, $0x1;
	s10 =	sld [smem:$0x3FBA];
	_ =	sdelay $0x3  }
0x37: {  	[smem:$0x3FBA] =	sst s10  }
0x38: {  	s10 =	sld [smem:$0x3FBB]  }
0x39: {  	_ = 	snop;
	(pc) =	sbr.ind lr, $3  }
0x3a: {  	_ = 	snop  }
0x3b: {  	_ = 	snop  }
0x3c: {  	p2 =	seq.s32 s10, $0x1;
	s10 =	sld [smem:$0x3FBA]  }
0x3d: {  	_ =	shalt  }
0x3e: {  	_ =	shalt  }
0x3f: {  	_ =	shalt  }
0x40: {  	_ =	shalt  }
0x41: {  	_ =	shalt  }
0x42: {  	_ =	shalt  }
0x43: {  	_ =	shalt  }
0x44: {  	_ =	shalt  }
0x45: {  	_ =	shalt  }
0x46: {  	_ =	shalt  }
0x47: {  	_ =	shalt  }
0x48: {  	_ =	shalt  }
0x49: {  	_ =	shalt  }
0x4a: {  	_ =	shalt  }
0x4b: {  	_ =	shalt  }
0x4c: {  	_ =	shalt  }
0x4d: {  	_ =	shalt  }
0x4e: {  	_ =	shalt  }
0x4f: {  	_ =	shalt  }
0x50: {  	_ =	shalt  }
0x51: {  	_ =	shalt  }
0x52: {  	_ =	shalt  }
0x53: {  	_ =	shalt  }
0x54: {  	_ =	shalt  }
0x55: {  	_ =	shalt  }
0x56: {  	_ =	shalt  }
0x57: {  	_ =	shalt  }
0x58: {  	_ =	shalt  }
0x59: {  	_ =	shalt  }
0x5a: {  	_ =	shalt  }
0x5b: {  	_ =	shalt  }
0x5c: {  	_ =	shalt  }
0x5d: {  	_ =	shalt  }
0x5e: {  	_ =	shalt  }
0x5f: {  	_ =	shalt  }
0x60: {  	_ =	shalt  }
0x61: {  	_ =	shalt  }
0x62: {  	_ =	shalt  }
0x63: {  	_ =	shalt  }
0x64: {  	_ =	shalt  }
0x65: {  	_ =	shalt  }
0x66: {  	_ =	shalt  }
0x67: {  	_ =	shalt  }
0x68: {  	_ =	shalt  }
0x69: {  	_ =	shalt  }
0x6a: {  	_ =	shalt  }
0x6b: {  	_ =	shalt  }
0x6c: {  	_ =	shalt  }
0x6d: {  	_ =	shalt  }
0x6e: {  	_ =	shalt  }
0x6f: {  	_ =	shalt  }
0x70: {  	_ =	shalt  }
0x71: {  	_ =	shalt  }
0x72: {  	_ =	shalt  }
0x73: {  	_ =	shalt  }
0x74: {  	_ =	shalt  }
0x75: {  	_ =	shalt  }
0x76: {  	_ =	shalt  }
0x77: {  	_ =	shalt  }
0x78: {  	_ =	shalt  }
0x79: {  	_ =	shalt  }
0x7a: {  	_ =	shalt  }
0x7b: {  	_ =	shalt  }
0x7c: {  	_ =	shalt  }
0x7d: {  	_ =	shalt  }
0x7e: {  	_ =	shalt  }
0x7f: {  	_ =	shalt  }
0x80: {  	_ =	shalt  }
0x81: {  	_ =	shalt  }
0x82: {  	_ =	shalt  }
0x83: {  	_ =	shalt  }
0x84: {  	_ =	shalt  }
0x85: {  	_ =	shalt  }
0x86: {  	_ =	shalt  }
0x87: {  	_ =	shalt  }
.Lfunc_end0:
.L_simem_size_0:
called_computation_lowered:
.L_overlay_start_0:
0x88: {  	s2 =	sld [smem:$0x3FD9]  }
0x89: {  	s3 =	sld [smem:$0x3FFE];
	_ =	sdelay $0x1  }
0x8a: {  	s1 =	srdreg.scid  }
0x8b: {  	s0 =	sand.u32 $0x1, s1  }
0x8c: {  	s17 =	sshll.u32 s0, $0xA;
	s2 =	sadd.s32 s3, s2  }
0x8d: {  	s2 =	sadd.s32 s2, s17  }
0x8e: {  	[smem:$0x3FC6] =	sst s2  }
0x8f: {  	_ = 	snop  }
0x90: {  	s2 =	sld [smem:$0x3FD0];
	(tm) =	ssettm $0x1  }
0x91: {  	s18 =	sld [smem:$0x3FFB];
	_ =	sdelay $0x3  }
0x92: {  	_ =	strace s18  }
0x93: {  	s3 =	sld [smem:$0x3FFC];
	_ =	sdelay $0x3  }
0x94: {  	_ =	strace s3  }
0x95: {  	s3 =	sld [smem:$0x3FFD];
	_ =	sdelay $0x3  }
0x96: {  	_ =	strace s3  }
0x97: {  	_ =	strace $0x8FFFFFFF  }
0x98: {  	s19 =	sld [smem:$0x3FDB];
	_ =	sdelay $0x1  }
0x99: {  	s4 =	simm.s32 $_scs_section_size  }
0x9a: {  	s5 =	simm.s32 $_size__tile_overlayer_lowered;
	s6 =	simm.s32 $_tile_overlayer_lowered  }
0x9b: {  	s22 =	simm.s32 $0x1BFF;
	s21 =	sshll.u32 s6, $0x1;
	s3 =	sadd.s32 s4, s19  }
0x9c: {  	s7 =	simm.s32 $0x0;
	s20 =	sshll.u32 s5, $0x1;
	s5 =	sadd.s32 s21, s3  }
0x9d: {  	[timem:s7], [sflag:s22] =	dma.local [hbm:s5], s20  }
0x9e: {  	_ =	swait.ge [sflag:s22], s20  }
0x9f: {  	s4 =	ssub.s32 $0x0, s20;
	[sflag:s22] =	ssyncset.done $0x0  }
0xa0: {  	[sflag:s22] =	ssyncadd.s32 s4;
	_ =	sdelay $0x1  }
0xa1: {  	s23 =	simm.s32 $0x1B8B  }
0xa2: {  	_ =	swait.ge [sflag:s23], $0x1  }
0xa3: {  	[sflag:s23] =	ssyncset.done $0x0  }
0xa4: {  	s25 =	simm.s32 $0x1B8E;
	s24 =	sld [smem:$0x3FFE];
	[sflag:s23] =	ssyncadd.s32 $0xFFFFFFFF  }
0xa5: {  	s26 =	simm.s32 $execute0_lowered;
	[smem:$0x3FD2] =	sst s25  }
0xa6: {  	s5 =	sshll.u32 s26, $0x1;
	_ =	strace $0x80000046;
	[dreg:$0x1] =	wrdreg $0xFFFFFFFF  }
0xa7: {  	s28 =	simm.s32 $_size_execute0_lowered;
	s3 =	sadd.s32 s3, s5;
	[dreg:$0x0] =	wrdreg $0x0  }
0xa8: {  	s5 =	sshll.u32 s28, $0x1;
	[dreg:$0x2] =	wrdreg s3  }
0xa9: {  	[dreg:$0x3] =	wrdreg s5  }
0xaa: {  	[dreg:$0x4] =	wrdreg $0xC0  }
0xab: {  	_ =	task [dreg:s7], $0x5FFFF  }
0xac: {  	[dreg:$0x1] =	wrdreg $0xFFFFFFFF  }
0xad: {  	[dreg:$0x0] =	wrdreg $0x60  }
0xae: {  	[dreg:$0x2] =	wrdreg s2  }
0xaf: {  	[dreg:$0x3] =	wrdreg s24  }
0xb0: {  	[dreg:$0x4] =	wrdreg $0x9  }
0xb1: {  	_ =	task.clear_ibuf [dreg:s7], $0x5FFFF;
	_ =	strace $0x90000046  }
0xb2: {  	s29 =	simm.s32 $0x9;
	_ =	strace $0x80000048  }
0xb3: {  	_ =	swait.ge [sflag:s29], $0x1  }
0xb4: {  	[sflag:s29] =	ssyncadd.s32 $0xFFFFFFFF  }
0xb5: {  	_ =	strace $0x90000048  }
0xb6: {  	_ =	sfence  }
0xb7: {  	s30 =	sld [smem:$0x0];
	_ =	sdelay $0x2  }
0xb8: {  	s31 =	sshll.u32 s1, $0xD;
	s1 =	sshrl.u32 s1, $0x2  }
0xb9: {  	s3 =	sand.u32 $0x4000, s31;
	s1 =	sadd.s32 s1, s30  }
0xba: {  	s0 =	sor.u32 s3, s0;
	s1 =	sshll.u32 s1, $0x11  }
0xbb: {  	s0 =	sor.u32 s1, s0  }
0xbc: {  	s0 =	sadd.s32 $0x8F2B, s0  }
0xbd: {  	[sflag:s0] =	ssyncadd.remote.s32 $0x1  }
0xbe: {  	_ =	sfence.sel $0xFFFF  }
0xbf: {  	[dreg:$0x0] =	wrdreg $0xFFFFFFFF;
	(pc) =	sbr.abs _section_cstart, $3  }
0xc0: {  	[dreg:$0x1] =	wrdreg $0xFFFFFFFF  }
0xc1: {  	_ =	task.clear_ibuf [dreg:s7], $0x2FFFF;
	_ =	strace $0x9FFFFFFF  }
0xc2: {  	(tm) =	ssettm $0x7FFFFFFF  }
0xc3: {  	_ =	shalt  }
tec
execute0_lowered:
.L_overlay_start_1:
0x0: {  	(tag) =	ssettag $0x1  }
0x1: {  	s4 =	rddreg [dreg:$0x0]  }
0x2: {  	s5 =	rddreg [dreg:$0x1]  }
0x3: {  	s0 =	rddreg [dreg:$0x2]  }
0x4: {  	s2 =	simm.s32 $0x0;
	s3 =	srdreg.scid;
	s1 =	stileid.u32  }
0x5: {  	s11 =	simm.s32 $0x9;
	s12 =	simm.s32 $0x20;
	s13 =	simm.s32 $0x2200  }
0x6: {  	s14 =	simm.s32 $0xA200;
	s15 =	simm.s32 $0x40;
	s16 =	simm.s32 $0x12200  }
0x7: {  	s17 =	simm.s32 $0x1;
	s18 =	simm.s32 $0x3;
	s19 =	simm.s32 $0x4  }
0x8: {  	s20 =	simm.s32 $0x5;
	s21 =	simm.s32 $0x2;
	s22 =	simm.s32 $0x6  }
0x9: {  	s23 =	simm.s32 $0x7;
	s24 =	simm.s32 $0x8;
	[smem:$0x7FF] =	sst s2  }
0xa: {  	s6 =	sand.u32 $0x1, s3;
	s8 =	sshll.u32 s1, $0xA;
	s3 =	sadd.s32 $0x400, s5  }
0xb: {  	s25 =	sadd.s32 $0x800, s5;
	s29 =	sshll.u32 s1, $0x11;
	_ =	strace $0x80000047  }
0xc: {  	s7 =	ssub.s32 $0x2, s6;
	s9 =	sshll.u32 s6, $0x9;
	s30 =	sadd.s32 s29, s25  }
0xd: {  	s31 =	sshll.u32 s6, $0x10;
	s10 =	sshrl.u32 s7, $0x1;
	s8 =	sor.u32 s9, s8  }
0xe: {  	s9 =	sadd.s32 s31, s30;
	s10 =	ssub.s32 s7, s10;
	s26 =	sshrl.u32 s8, $0x3  }
0xf: {  	s28 =	sshll.u32 s8, $0x7;
	s9 =	sadd.s32 $0x3000, s9;
	s4 =	sadd.s32 s4, s26  }
0x10: {  	s5 =	sadd.s32 s25, s28;
	s8 =	smax.u32 s10, $0x1;
	s10 =	simm.s32 $0x200  }
0x11: {  	v0 =	vlaneseq.u32;
	s25 =	simm.s32 $0x0;
	s6 =	sadd.s32 $0x1000, s5;
	s7 =	sadd.s32 $0x2000, s5  }
.LBB2_1:
0x12: {  	[tilespmem:s10], [sflag:$0x1] =	stream.linear.gather [hbm4b:s3+s2], $0x2000, $0x38;
	[tilespmem:$0x1A200] =	vst v63  }
0x13: {  	_ = 	snop  }
0x14: {  	[tilespmem:s2], [sflag:$0x9] =	stream.linear.gather [hbm4b:s4+s2], $0x200, $0x38;
	[tilespmem:$0x1A200] =	vst v63  }
0x15: {  	_ =	swait.ge [sflag:s11], $0x200  }
0x16: {  	[sflag:s11] =	ssyncset.done $0x0  }
0x17: {  	[sflag:s11] =	ssyncadd.s32 $0xFFFFFE00  }
0x18: {  	[tilespmem:s13], [sflag:$0x3] =	stream.indirect.gather [hbm4b:s3+s12], $0x400, s2, s12, $0xb8;
	[tilespmem:$0x1A200] =	vst v63  }
0x19: {  	_ = 	snop  }
0x1a: {  	[tilespmem:s14], [sflag:$0x4] =	stream.indirect.gather [hbm4b:s3+s12], $0x400, s12, s12, $0xb8;
	[tilespmem:$0x1A200] =	vst v63  }
0x1b: {  	_ = 	snop  }
0x1c: {  	[tilespmem:s16], [sflag:$0x5] =	stream.indirect.gather [hbm4b:s3+s12], $0x400, s15, s12, $0xb8;
	[tilespmem:$0x1A200] =	vst v63  }
0x1d: {  	s26 =	simm.s32 $0x180;
	_ =	swait.ge [sflag:s17], $0x2000  }
0x1e: {  	s26 =	sand.u32 $0x7C0, s26;
	[sflag:s17] =	ssyncset.done $0x0  }
0x1f: {  	s26 =	sshrl.u32 s26, $0x2;
	[sflag:s17] =	ssyncadd.s32 $0xFFFFE000  }
0x20: {  	v1 =	vld [tilespmem:s26+$0x0];
	_ =	sdelay $0x1  }
0x21: {  	s26 =	simm.s32 $0x60  }
0x22: {  	s28 =	sand.u32 $0xF, s26  }
0x23: {  	v2 =	vmov s28  }
0x24: {  	vm0 =	veq.s32 v2, v0;
	v1 =	vxor.u32 $0x80000000, v1  }
0x25: {  	v1 =	vnsel vm0, $0x80000000, v1  }
0x26: {  	(xrf0) =	vmax.scan.msk.u32 $0xffff, v1;
	_ =	sdelay $0x5  }
0x27: {  	v1, _, _ =	vpop (xrf0)  }
0x28: {  	(v2sf) =	vpush v1, $0xF;
	_ =	sdelay $0xe  }
0x29: {  	s28 =	spop (v2sf)  }
0x2a: {  	s28 =	sshll.u32 s28, $0xC  }
0x2b: {  	s29 =	simm.s32 $0x184;
	s28 =	sshra.s32 s28, $0x2  }
0x2c: {  	s29 =	sand.u32 $0x7C0, s29;
	s28 =	sor.u32 $0x200, s28  }
0x2d: {  	[hbm4b:s9+s2] =	stream.linear.scatter [tilespmem:s28], [sflag:$0x2], $0x400, $0x38;
	[tilespmem:$0x1A200] =	vst v63  }
0x2e: {  	s28 =	sshrl.u32 s29, $0x2  }
0x2f: {  	s29 =	simm.s32 $0x188;
	v1 =	vld [tilespmem:s28+$0x0];
	s28 =	smov.u32 s9  }
.LBB2_2:
0x30: {  	p0 =	sne.s32 s29, $0x7FC  }
0x31: {  	s26 =	sadd.s32 $0x1, s26  }
0x32: {  	s30 =	sand.u32 $0xF, s26  }
0x33: {  	v2 =	vmov s30  }
0x34: {  	vm0 =	veq.s32 v2, v0;
	v1 =	vxor.u32 $0x80000000, v1  }
0x35: {  	v1 =	vnsel vm0, $0x80000000, v1  }
0x36: {  	(xrf0) =	vmax.scan.msk.u32 $0xffff, v1;
	_ =	sdelay $0x5  }
0x37: {  	v1, _, _ =	vpop (xrf0)  }
0x38: {  	(v2sf) =	vpush v1, $0xF;
	_ =	sdelay $0xe  }
0x39: {  	s30 =	spop (v2sf)  }
.Ltmp0:
0x3a: {  	s30 =	sshll.u32 s30, $0xC;
	(pc) =	sbr.rel @p0 .LBB2_2-.Ltmp0, $4  }
0x3b: {  	s31 =	sand.u32 $0x7C0, s29;
	s30 =	sshra.s32 s30, $0x2  }
0x3c: {  	s28 =	sadd.s32 $0x80, s28;
	s31 =	sshrl.u32 s31, $0x2;
	s30 =	sor.u32 $0x200, s30  }
0x3d: {  	[hbm4b:s28+s2] =	stream.linear.scatter [tilespmem:s30], [sflag:$0x2], $0x400, $0x38;
	[tilespmem:$0x1A200] =	vst v63  }
0x3e: {  	s29 =	sadd.s32 $0x4, s29;
	v1 =	vld [tilespmem:s31+$0x0]  }
0x3f: {  	_ = 	snop  }
0x40: {  	s26 =	sadd.s32 $0x1, s26  }
0x41: {  	s26 =	sand.u32 $0xF, s26  }
0x42: {  	v2 =	vmov s26  }
0x43: {  	vm0 =	veq.s32 v2, v0;
	v1 =	vxor.u32 $0x80000000, v1  }
0x44: {  	v1 =	vnsel vm0, $0x80000000, v1  }
0x45: {  	(xrf0) =	vmax.scan.msk.u32 $0xffff, v1;
	_ =	sdelay $0x5  }
0x46: {  	v1, _, _ =	vpop (xrf0)  }
0x47: {  	(v2sf) =	vpush v1, $0xF;
	_ =	sdelay $0xe  }
0x48: {  	s31 =	spop (v2sf)  }
0x49: {  	s26 =	sshll.u32 s31, $0xC  }
0x4a: {  	s26 =	sshra.s32 s26, $0x2  }
0x4b: {  	s28 =	sadd.s32 $0x80, s28;
	s26 =	sor.u32 $0x200, s26  }
0x4c: {  	[hbm4b:s28+s2] =	stream.linear.scatter [tilespmem:s26], [sflag:$0x2], $0x400, $0x38;
	[tilespmem:$0x1A200] =	vst v63  }
0x4d: {  	_ =	swait.ge [sflag:s18], $0x8000  }
0x4e: {  	[sflag:s18] =	ssyncset.done $0x0  }
0x4f: {  	[sflag:s18] =	ssyncadd.s32 $0xFFFF8000  }
0x50: {  	[hbm4b:s5+s2] =	stream.linear.scatter [tilespmem:s13], [sflag:$0x6], $0x8000, $0x38;
	[tilespmem:$0x1A200] =	vst v63  }
0x51: {  	_ =	swait.ge [sflag:s19], $0x8000  }
0x52: {  	[sflag:s19] =	ssyncset.done $0x0  }
0x53: {  	[sflag:s19] =	ssyncadd.s32 $0xFFFF8000  }
0x54: {  	[hbm4b:s6+s2] =	stream.linear.scatter [tilespmem:s14], [sflag:$0x7], $0x8000, $0x38;
	[tilespmem:$0x1A200] =	vst v63  }
0x55: {  	_ =	swait.ge [sflag:s20], $0x8000  }
0x56: {  	[sflag:s20] =	ssyncset.done $0x0  }
0x57: {  	[sflag:s20] =	ssyncadd.s32 $0xFFFF8000  }
0x58: {  	[hbm4b:s7+s2] =	stream.linear.scatter [tilespmem:s16], [sflag:$0x8], $0x8000, $0x38;
	[tilespmem:$0x1A200] =	vst v63  }
0x59: {  	_ =	swait.ge [sflag:s21], $0x400  }
0x5a: {  	s26 =	simm.s32 $0x19F;
	[sflag:s21] =	ssyncset.done $0x0  }
.LBB2_4:
0x5b: {  	p0 =	sne.s32 s26, $0x1;
	s26 =	sadd.s32 $0xFFFFFFFF, s26;
	[sflag:s21] =	ssyncadd.s32 $0xFFFFFC00  }
.Ltmp1:
0x5c: {  	(pc) =	sbr.rel @p0 .LBB2_4-.Ltmp1, $3  }
0x5d: {  	_ =	sdelay $0x1  }
0x5e: {  	_ =	swait.ge [sflag:s21], $0x400  }
0x5f: {  	[sflag:s21] =	ssyncset.done $0x0  }
0x60: {  	[sflag:s21] =	ssyncadd.s32 $0xFFFFFC00  }
0x61: {  	_ =	swait.ge [sflag:s22], $0x8000  }
0x62: {  	[sflag:s22] =	ssyncset.done $0x0  }
0x63: {  	s25 =	sadd.s32 $0x1, s25;
	[sflag:s22] =	ssyncadd.s32 $0xFFFF8000  }
0x64: {  	p0 =	sne.s32 s25, s8;
	_ =	swait.ge [sflag:s23], $0x8000  }
.Ltmp2:
0x65: {  	[sflag:s23] =	ssyncset.done $0x0;
	(pc) =	sbr.rel @p0 .LBB2_1-.Ltmp2, $4  }
0x66: {  	[sflag:s23] =	ssyncadd.s32 $0xFFFF8000  }
0x67: {  	_ =	swait.ge [sflag:s24], $0x8000  }
0x68: {  	[sflag:s24] =	ssyncset.done $0x0  }
0x69: {  	[sflag:s24] =	ssyncadd.s32 $0xFFFF8000  }
0x6a: {  	_ =	sfence.sel $0x180000  }
0x6b: {  	[bflag:$0x0] =	sbarrier.arrive $0xFFFF  }
0x6c: {  	p0 =	sne.s32 s1, $0x0;
	_ =	strace $0x90000047  }
0x6d: {  	s0 =	sadd.s32 @!p0 $0x100000, s0;
	[bflag:$0x2] =	sbarrier.arrive $0xFFFF  }
0x6e: {  	[sflag:s0] =	ssyncadd.tile.s32 @!p0 $0x1;
	_ =	shalt  }
.Lfunc_end2:
_tile_overlayer_lowered:
.L_overlay_start_2:
0x6f: {  	(tag) =	ssettag $0x2  }
0x70: {  	s0 =	rddreg [dreg:$0x0];
	s2 =	stileid.u32  }
0x71: {  	s1 =	rddreg [dreg:$0x1];
	p0 =	sne.s32 s2, $0x0  }
0x72: {  	s3 =	rddreg [dreg:$0x2];
	[bflag:$0x3] =	sbarrier.arrive $0xFFFF;
	s2 =	simm.s32 @!p0 $0x1C09  }
0x73: {  	[timem:s3], [sflag:s2] =	dma.local @!p0 [hbm:s0], s1  }
0x74: {  	s0 =	simm.s32 @!p0 $0x9  }
0x75: {  	_ =	swait.ge @!p0 [sflag:s0], s1  }
0x76: {  	s1 =	ssub.s32 @!p0 $0x0, s1;
	[sflag:s0] =	ssyncset.done @!p0 $0x0  }
0x77: {  	[sflag:s0] =	ssyncadd.s32 @!p0 s1  }
0x78: {  	[bflag:$0x3] =	sbarrier.arrive $0xFFFF  }
0x79: {  	_ =	shalt  }

</sc_bundles>
